<compile_context>
chip_gen: v7x
topology: tpu7x:2x2x1
jax: 0.10.2.dev20260603
libtpu: 0.0.44.dev20260713+nightly
codegen_flags: <defaults>
</compile_context>

<pallas_src>
import functools

import jax
import jax.numpy as jnp
from jax import lax
from jax.experimental import pallas as pl
from jax.experimental.pallas import tpu as pltpu
from jax.experimental.pallas import tpu_sc as plsc


@functools.lru_cache(maxsize=None)
def _build(samples: int, time: int, dim: int):
    nc = 1
    nchunks = 4
    rows = dim // nc
    crows = rows // nchunks
    assert rows % nchunks == 0 and crows % 8 == 0

    mesh = plsc.ScalarSubcoreMesh(axis_name="c", num_cores=nc)

    @functools.partial(
        pl.kernel,
        out_type=jax.ShapeDtypeStruct((samples, dim, time), jnp.float32),
        mesh=mesh,
        scratch_types=[
            pltpu.VMEM_SHARED((rows, time), jnp.float32),
            pltpu.SemaphoreType.DMA,
            pltpu.SemaphoreType.DMA,
        ],
        compiler_params=pltpu.CompilerParams(use_tc_tiling_on_sc=True),
    )
    def tile_kernel(table_hbm, out_hbm, spbuf, in_sem, out_sem):
        base = lax.axis_index("c") * rows
        loads = [
            pltpu.async_copy(
                table_hbm.at[pl.ds(base + k * crows, crows), :],
                spbuf.at[pl.ds(k * crows, crows), :],
                in_sem,
            )
            for k in range(nchunks)
        ]
        stores = []
        for k in range(nchunks):
            loads[k].wait()
            stores += [
                pltpu.async_copy(
                    spbuf.at[pl.ds(k * crows, crows), :],
                    out_hbm.at[s, pl.ds(base + k * crows, crows), :],
                    out_sem,
                )
                for s in range(samples)
            ]
        for c in stores:
            c.wait()

    return tile_kernel


def kernel(x, table):
    table_t = jnp.swapaxes(table, 0, 1)
    out_t = _build(x.shape[0], table.shape[0], table.shape[1])(table_t)
    return jnp.swapaxes(out_t, 1, 2)

# --- scband reference (transcript-rebuilt; emitter-appended) ---
"""Pipeline reference for scband-position-embedding-40707700032451 (READ-ONLY COPY).

The authoritative reference and input builder live on the scoring server;
editing this copy changes nothing except your own understanding.
"""

import jax, jax.numpy as jnp
import numpy as np

MAX_TIME = 4096
N_WAVES = 16
D_MODEL = 64

def pos_encoding(time, n_waves, d_model=100):
    encodings = np.zeros((2 * n_waves, time))
    positions = np.arange(time, dtype=np.float32)
    for i in range(n_waves):
        encodings[2 * i] = np.sin(positions / 10.0 ** (2.0 * i / d_model))
        encodings[2 * i + 1] = np.cos(positions / 10.0 ** (2.0 * i / d_model))
    return np.transpose(encodings)

def setup_inputs(seed: int = 0) -> dict:
    key = jax.random.key(seed)
    x = jax.random.normal(key, (4, 4096, 1024), dtype=jnp.float32)
    table = jnp.asarray(pos_encoding(MAX_TIME, N_WAVES, d_model=D_MODEL), dtype=jnp.float32)
    return {"x": x, "table": table}

def reference(x, table):
    samples = x.shape[0]
    time = x.shape[1]
    positions = jnp.arange(time, dtype=jnp.int32)
    # embedding lookup: gather rows of the positional table
    pos_enc = jnp.take(table, positions, axis=0)  # (time, 2*n_waves)
    pos_enc = pos_enc[None, :, :]  # (1, time, 2*n_waves)
    out = jnp.tile(pos_enc, (samples, 1, 1))  # (samples, time, 2*n_waves)
    return out

if __name__ == "__main__":
    import jax
    _d = setup_inputs()
    print(jax.jit(kernel)(*tuple(_d.values())))

</pallas_src>

<mosaic_0001>
#map = affine_map<(d0) -> (0, 0)>
#map1 = affine_map<(d0) -> (0, 0, 0)>
module attributes {stable_mosaic.version = 14 : i64} {
  func.func @tile_kernel(%arg0: i32, %arg1: memref<32x4096xf32, #tpu.memory_space<hbm>>, %arg2: memref<4x32x4096xf32, #tpu.memory_space<hbm>>, %arg3: memref<32x4096xf32, #tpu.memory_space<vmem_shared>>, %arg4: memref<!tpu.dma_semaphore, #tpu.memory_space<semaphore_mem>>, %arg5: memref<!tpu.dma_semaphore, #tpu.memory_space<semaphore_mem>>) attributes {dimension_semantics = [#tpu.dimension_semantics<core_parallel>], iteration_bounds = array<i64: 1>, scalar_prefetch = 0 : i64, scratch_operands = 3 : i64, tpu.core_type = #tpu.core_type<sc_scalar_subcore>, window_params = [{transform_indices = #map}, {transform_indices = #map1}]} {
    %mul3A = arith.constant 32 : i32
    %mul3A_0 = arith.muli %arg0, %mul3A : i32
    %add3A = arith.constant 0 : i32
    %add3A_1 = arith.addi %mul3A_0, %add3A : i32
    %dma_start3A = arith.constant 0 : i32
    %dma_start3A_2 = arith.constant 0 : i32
    %dma_start3A_3 = tpu.memref_slice %arg3[%dma_start3A, %dma_start3A_2] : memref<32x4096xf32, #tpu.memory_space<vmem_shared>> -> memref<8x4096xf32, #tpu.memory_space<vmem_shared>>
    %dma_start3A_4 = arith.constant 0 : i32
    %dma_start3A_5 = tpu.memref_slice %arg1[%add3A_1, %dma_start3A_4] : memref<32x4096xf32, #tpu.memory_space<hbm>> -> memref<8x4096xf32, #tpu.memory_space<hbm>>
    tpu.enqueue_dma source(%dma_start3A_5 : memref<8x4096xf32, #tpu.memory_space<hbm>>) target(%dma_start3A_3 : memref<8x4096xf32, #tpu.memory_space<vmem_shared>>) target_semaphore(%arg4 : memref<!tpu.dma_semaphore, #tpu.memory_space<semaphore_mem>>)
    %add3A_6 = arith.constant 8 : i32
    %add3A_7 = arith.addi %mul3A_0, %add3A_6 : i32
    %dma_start3A_8 = arith.constant 8 : i32
    %dma_start3A_9 = arith.constant 0 : i32
    %dma_start3A_10 = tpu.memref_slice %arg3[%dma_start3A_8, %dma_start3A_9] : memref<32x4096xf32, #tpu.memory_space<vmem_shared>> -> memref<8x4096xf32, #tpu.memory_space<vmem_shared>>
    %dma_start3A_11 = arith.constant 0 : i32
    %dma_start3A_12 = tpu.memref_slice %arg1[%add3A_7, %dma_start3A_11] : memref<32x4096xf32, #tpu.memory_space<hbm>> -> memref<8x4096xf32, #tpu.memory_space<hbm>>
    tpu.enqueue_dma source(%dma_start3A_12 : memref<8x4096xf32, #tpu.memory_space<hbm>>) target(%dma_start3A_10 : memref<8x4096xf32, #tpu.memory_space<vmem_shared>>) target_semaphore(%arg4 : memref<!tpu.dma_semaphore, #tpu.memory_space<semaphore_mem>>)
    %add3A_13 = arith.constant 16 : i32
    %add3A_14 = arith.addi %mul3A_0, %add3A_13 : i32
    %dma_start3A_15 = arith.constant 16 : i32
    %dma_start3A_16 = arith.constant 0 : i32
    %dma_start3A_17 = tpu.memref_slice %arg3[%dma_start3A_15, %dma_start3A_16] : memref<32x4096xf32, #tpu.memory_space<vmem_shared>> -> memref<8x4096xf32, #tpu.memory_space<vmem_shared>>
    %dma_start3A_18 = arith.constant 0 : i32
    %dma_start3A_19 = tpu.memref_slice %arg1[%add3A_14, %dma_start3A_18] : memref<32x4096xf32, #tpu.memory_space<hbm>> -> memref<8x4096xf32, #tpu.memory_space<hbm>>
    tpu.enqueue_dma source(%dma_start3A_19 : memref<8x4096xf32, #tpu.memory_space<hbm>>) target(%dma_start3A_17 : memref<8x4096xf32, #tpu.memory_space<vmem_shared>>) target_semaphore(%arg4 : memref<!tpu.dma_semaphore, #tpu.memory_space<semaphore_mem>>)
    %add3A_20 = arith.constant 24 : i32
    %add3A_21 = arith.addi %mul3A_0, %add3A_20 : i32
    %dma_start3A_22 = arith.constant 24 : i32
    %dma_start3A_23 = arith.constant 0 : i32
    %dma_start3A_24 = tpu.memref_slice %arg3[%dma_start3A_22, %dma_start3A_23] : memref<32x4096xf32, #tpu.memory_space<vmem_shared>> -> memref<8x4096xf32, #tpu.memory_space<vmem_shared>>
    %dma_start3A_25 = arith.constant 0 : i32
    %dma_start3A_26 = tpu.memref_slice %arg1[%add3A_21, %dma_start3A_25] : memref<32x4096xf32, #tpu.memory_space<hbm>> -> memref<8x4096xf32, #tpu.memory_space<hbm>>
    tpu.enqueue_dma source(%dma_start3A_26 : memref<8x4096xf32, #tpu.memory_space<hbm>>) target(%dma_start3A_24 : memref<8x4096xf32, #tpu.memory_space<vmem_shared>>) target_semaphore(%arg4 : memref<!tpu.dma_semaphore, #tpu.memory_space<semaphore_mem>>)
    %dma_wait3A = arith.constant 0 : i32
    %dma_wait3A_27 = arith.constant 0 : i32
    %dma_wait3A_28 = tpu.memref_slice %arg3[%dma_wait3A, %dma_wait3A_27] : memref<32x4096xf32, #tpu.memory_space<vmem_shared>> -> memref<8x4096xf32, #tpu.memory_space<vmem_shared>>
    %dma_wait3A_29 = arith.constant 0 : i32
    %dma_wait3A_30 = tpu.memref_slice %arg1[%add3A_1, %dma_wait3A_29] : memref<32x4096xf32, #tpu.memory_space<hbm>> -> memref<8x4096xf32, #tpu.memory_space<hbm>>
    tpu.wait_dma2 semaphore(%arg4 : memref<!tpu.dma_semaphore, #tpu.memory_space<semaphore_mem>>) src(%dma_wait3A_30 : memref<8x4096xf32, #tpu.memory_space<hbm>>) dst(%dma_wait3A_28 : memref<8x4096xf32, #tpu.memory_space<vmem_shared>>)
    %add3A_31 = arith.constant 0 : i32
    %add3A_32 = arith.addi %mul3A_0, %add3A_31 : i32
    %dma_start3A_33 = arith.constant 0 : i32
    %dma_start3A_34 = arith.constant 0 : i32
    %dma_start3A_35 = tpu.memref_slice %arg2[%dma_start3A_33, %add3A_32, %dma_start3A_34] : memref<4x32x4096xf32, #tpu.memory_space<hbm>> -> memref<1x8x4096xf32, #tpu.memory_space<hbm>>
    %dma_start3A_36 = tpu.memref_squeeze %dma_start3A_35 : memref<1x8x4096xf32, #tpu.memory_space<hbm>> -> memref<8x4096xf32, #tpu.memory_space<hbm>>
    %dma_start3A_37 = arith.constant 0 : i32
    %dma_start3A_38 = arith.constant 0 : i32
    %dma_start3A_39 = tpu.memref_slice %arg3[%dma_start3A_37, %dma_start3A_38] : memref<32x4096xf32, #tpu.memory_space<vmem_shared>> -> memref<8x4096xf32, #tpu.memory_space<vmem_shared>>
    tpu.enqueue_dma source(%dma_start3A_39 : memref<8x4096xf32, #tpu.memory_space<vmem_shared>>) target(%dma_start3A_36 : memref<8x4096xf32, #tpu.memory_space<hbm>>) target_semaphore(%arg5 : memref<!tpu.dma_semaphore, #tpu.memory_space<semaphore_mem>>)
    %add3A_40 = arith.constant 0 : i32
    %add3A_41 = arith.addi %mul3A_0, %add3A_40 : i32
    %dma_start3A_42 = arith.constant 1 : i32
    %dma_start3A_43 = arith.constant 0 : i32
    %dma_start3A_44 = tpu.memref_slice %arg2[%dma_start3A_42, %add3A_41, %dma_start3A_43] : memref<4x32x4096xf32, #tpu.memory_space<hbm>> -> memref<1x8x4096xf32, #tpu.memory_space<hbm>>
    %dma_start3A_45 = tpu.memref_squeeze %dma_start3A_44 : memref<1x8x4096xf32, #tpu.memory_space<hbm>> -> memref<8x4096xf32, #tpu.memory_space<hbm>>
    %dma_start3A_46 = arith.constant 0 : i32
    %dma_start3A_47 = arith.constant 0 : i32
    %dma_start3A_48 = tpu.memref_slice %arg3[%dma_start3A_46, %dma_start3A_47] : memref<32x4096xf32, #tpu.memory_space<vmem_shared>> -> memref<8x4096xf32, #tpu.memory_space<vmem_shared>>
    tpu.enqueue_dma source(%dma_start3A_48 : memref<8x4096xf32, #tpu.memory_space<vmem_shared>>) target(%dma_start3A_45 : memref<8x4096xf32, #tpu.memory_space<hbm>>) target_semaphore(%arg5 : memref<!tpu.dma_semaphore, #tpu.memory_space<semaphore_mem>>)
    %add3A_49 = arith.constant 0 : i32
    %add3A_50 = arith.addi %mul3A_0, %add3A_49 : i32
    %dma_start3A_51 = arith.constant 2 : i32
    %dma_start3A_52 = arith.constant 0 : i32
    %dma_start3A_53 = tpu.memref_slice %arg2[%dma_start3A_51, %add3A_50, %dma_start3A_52] : memref<4x32x4096xf32, #tpu.memory_space<hbm>> -> memref<1x8x4096xf32, #tpu.memory_space<hbm>>
    %dma_start3A_54 = tpu.memref_squeeze %dma_start3A_53 : memref<1x8x4096xf32, #tpu.memory_space<hbm>> -> memref<8x4096xf32, #tpu.memory_space<hbm>>
    %dma_start3A_55 = arith.constant 0 : i32
    %dma_start3A_56 = arith.constant 0 : i32
    %dma_start3A_57 = tpu.memref_slice %arg3[%dma_start3A_55, %dma_start3A_56] : memref<32x4096xf32, #tpu.memory_space<vmem_shared>> -> memref<8x4096xf32, #tpu.memory_space<vmem_shared>>
    tpu.enqueue_dma source(%dma_start3A_57 : memref<8x4096xf32, #tpu.memory_space<vmem_shared>>) target(%dma_start3A_54 : memref<8x4096xf32, #tpu.memory_space<hbm>>) target_semaphore(%arg5 : memref<!tpu.dma_semaphore, #tpu.memory_space<semaphore_mem>>)
    %add3A_58 = arith.constant 0 : i32
    %add3A_59 = arith.addi %mul3A_0, %add3A_58 : i32
    %dma_start3A_60 = arith.constant 3 : i32
    %dma_start3A_61 = arith.constant 0 : i32
    %dma_start3A_62 = tpu.memref_slice %arg2[%dma_start3A_60, %add3A_59, %dma_start3A_61] : memref<4x32x4096xf32, #tpu.memory_space<hbm>> -> memref<1x8x4096xf32, #tpu.memory_space<hbm>>
    %dma_start3A_63 = tpu.memref_squeeze %dma_start3A_62 : memref<1x8x4096xf32, #tpu.memory_space<hbm>> -> memref<8x4096xf32, #tpu.memory_space<hbm>>
    %dma_start3A_64 = arith.constant 0 : i32
    %dma_start3A_65 = arith.constant 0 : i32
    %dma_start3A_66 = tpu.memref_slice %arg3[%dma_start3A_64, %dma_start3A_65] : memref<32x4096xf32, #tpu.memory_space<vmem_shared>> -> memref<8x4096xf32, #tpu.memory_space<vmem_shared>>
    tpu.enqueue_dma source(%dma_start3A_66 : memref<8x4096xf32, #tpu.memory_space<vmem_shared>>) target(%dma_start3A_63 : memref<8x4096xf32, #tpu.memory_space<hbm>>) target_semaphore(%arg5 : memref<!tpu.dma_semaphore, #tpu.memory_space<semaphore_mem>>)
    %dma_wait3A_67 = arith.constant 8 : i32
    %dma_wait3A_68 = arith.constant 0 : i32
    %dma_wait3A_69 = tpu.memref_slice %arg3[%dma_wait3A_67, %dma_wait3A_68] : memref<32x4096xf32, #tpu.memory_space<vmem_shared>> -> memref<8x4096xf32, #tpu.memory_space<vmem_shared>>
    %dma_wait3A_70 = arith.constant 0 : i32
    %dma_wait3A_71 = tpu.memref_slice %arg1[%add3A_7, %dma_wait3A_70] : memref<32x4096xf32, #tpu.memory_space<hbm>> -> memref<8x4096xf32, #tpu.memory_space<hbm>>
    tpu.wait_dma2 semaphore(%arg4 : memref<!tpu.dma_semaphore, #tpu.memory_space<semaphore_mem>>) src(%dma_wait3A_71 : memref<8x4096xf32, #tpu.memory_space<hbm>>) dst(%dma_wait3A_69 : memref<8x4096xf32, #tpu.memory_space<vmem_shared>>)
    %add3A_72 = arith.constant 8 : i32
    %add3A_73 = arith.addi %mul3A_0, %add3A_72 : i32
    %dma_start3A_74 = arith.constant 0 : i32
    %dma_start3A_75 = arith.constant 0 : i32
    %dma_start3A_76 = tpu.memref_slice %arg2[%dma_start3A_74, %add3A_73, %dma_start3A_75] : memref<4x32x4096xf32, #tpu.memory_space<hbm>> -> memref<1x8x4096xf32, #tpu.memory_space<hbm>>
    %dma_start3A_77 = tpu.memref_squeeze %dma_start3A_76 : memref<1x8x4096xf32, #tpu.memory_space<hbm>> -> memref<8x4096xf32, #tpu.memory_space<hbm>>
    %dma_start3A_78 = arith.constant 8 : i32
    %dma_start3A_79 = arith.constant 0 : i32
    %dma_start3A_80 = tpu.memref_slice %arg3[%dma_start3A_78, %dma_start3A_79] : memref<32x4096xf32, #tpu.memory_space<vmem_shared>> -> memref<8x4096xf32, #tpu.memory_space<vmem_shared>>
    tpu.enqueue_dma source(%dma_start3A_80 : memref<8x4096xf32, #tpu.memory_space<vmem_shared>>) target(%dma_start3A_77 : memref<8x4096xf32, #tpu.memory_space<hbm>>) target_semaphore(%arg5 : memref<!tpu.dma_semaphore, #tpu.memory_space<semaphore_mem>>)
    %add3A_81 = arith.constant 8 : i32
    %add3A_82 = arith.addi %mul3A_0, %add3A_81 : i32
    %dma_start3A_83 = arith.constant 1 : i32
    %dma_start3A_84 = arith.constant 0 : i32
    %dma_start3A_85 = tpu.memref_slice %arg2[%dma_start3A_83, %add3A_82, %dma_start3A_84] : memref<4x32x4096xf32, #tpu.memory_space<hbm>> -> memref<1x8x4096xf32, #tpu.memory_space<hbm>>
    %dma_start3A_86 = tpu.memref_squeeze %dma_start3A_85 : memref<1x8x4096xf32, #tpu.memory_space<hbm>> -> memref<8x4096xf32, #tpu.memory_space<hbm>>
    %dma_start3A_87 = arith.constant 8 : i32
    %dma_start3A_88 = arith.constant 0 : i32
    %dma_start3A_89 = tpu.memref_slice %arg3[%dma_start3A_87, %dma_start3A_88] : memref<32x4096xf32, #tpu.memory_space<vmem_shared>> -> memref<8x4096xf32, #tpu.memory_space<vmem_shared>>
    tpu.enqueue_dma source(%dma_start3A_89 : memref<8x4096xf32, #tpu.memory_space<vmem_shared>>) target(%dma_start3A_86 : memref<8x4096xf32, #tpu.memory_space<hbm>>) target_semaphore(%arg5 : memref<!tpu.dma_semaphore, #tpu.memory_space<semaphore_mem>>)
    %add3A_90 = arith.constant 8 : i32
    %add3A_91 = arith.addi %mul3A_0, %add3A_90 : i32
    %dma_start3A_92 = arith.constant 2 : i32
    %dma_start3A_93 = arith.constant 0 : i32
    %dma_start3A_94 = tpu.memref_slice %arg2[%dma_start3A_92, %add3A_91, %dma_start3A_93] : memref<4x32x4096xf32, #tpu.memory_space<hbm>> -> memref<1x8x4096xf32, #tpu.memory_space<hbm>>
    %dma_start3A_95 = tpu.memref_squeeze %dma_start3A_94 : memref<1x8x4096xf32, #tpu.memory_space<hbm>> -> memref<8x4096xf32, #tpu.memory_space<hbm>>
    %dma_start3A_96 = arith.constant 8 : i32
    %dma_start3A_97 = arith.constant 0 : i32
    %dma_start3A_98 = tpu.memref_slice %arg3[%dma_start3A_96, %dma_start3A_97] : memref<32x4096xf32, #tpu.memory_space<vmem_shared>> -> memref<8x4096xf32, #tpu.memory_space<vmem_shared>>
    tpu.enqueue_dma source(%dma_start3A_98 : memref<8x4096xf32, #tpu.memory_space<vmem_shared>>) target(%dma_start3A_95 : memref<8x4096xf32, #tpu.memory_space<hbm>>) target_semaphore(%arg5 : memref<!tpu.dma_semaphore, #tpu.memory_space<semaphore_mem>>)
    %add3A_99 = arith.constant 8 : i32
    %add3A_100 = arith.addi %mul3A_0, %add3A_99 : i32
    %dma_start3A_101 = arith.constant 3 : i32
    %dma_start3A_102 = arith.constant 0 : i32
    %dma_start3A_103 = tpu.memref_slice %arg2[%dma_start3A_101, %add3A_100, %dma_start3A_102] : memref<4x32x4096xf32, #tpu.memory_space<hbm>> -> memref<1x8x4096xf32, #tpu.memory_space<hbm>>
    %dma_start3A_104 = tpu.memref_squeeze %dma_start3A_103 : memref<1x8x4096xf32, #tpu.memory_space<hbm>> -> memref<8x4096xf32, #tpu.memory_space<hbm>>
    %dma_start3A_105 = arith.constant 8 : i32
    %dma_start3A_106 = arith.constant 0 : i32
    %dma_start3A_107 = tpu.memref_slice %arg3[%dma_start3A_105, %dma_start3A_106] : memref<32x4096xf32, #tpu.memory_space<vmem_shared>> -> memref<8x4096xf32, #tpu.memory_space<vmem_shared>>
    tpu.enqueue_dma source(%dma_start3A_107 : memref<8x4096xf32, #tpu.memory_space<vmem_shared>>) target(%dma_start3A_104 : memref<8x4096xf32, #tpu.memory_space<hbm>>) target_semaphore(%arg5 : memref<!tpu.dma_semaphore, #tpu.memory_space<semaphore_mem>>)
    %dma_wait3A_108 = arith.constant 16 : i32
    %dma_wait3A_109 = arith.constant 0 : i32
    %dma_wait3A_110 = tpu.memref_slice %arg3[%dma_wait3A_108, %dma_wait3A_109] : memref<32x4096xf32, #tpu.memory_space<vmem_shared>> -> memref<8x4096xf32, #tpu.memory_space<vmem_shared>>
    %dma_wait3A_111 = arith.constant 0 : i32
    %dma_wait3A_112 = tpu.memref_slice %arg1[%add3A_14, %dma_wait3A_111] : memref<32x4096xf32, #tpu.memory_space<hbm>> -> memref<8x4096xf32, #tpu.memory_space<hbm>>
    tpu.wait_dma2 semaphore(%arg4 : memref<!tpu.dma_semaphore, #tpu.memory_space<semaphore_mem>>) src(%dma_wait3A_112 : memref<8x4096xf32, #tpu.memory_space<hbm>>) dst(%dma_wait3A_110 : memref<8x4096xf32, #tpu.memory_space<vmem_shared>>)
    %add3A_113 = arith.constant 16 : i32
    %add3A_114 = arith.addi %mul3A_0, %add3A_113 : i32
    %dma_start3A_115 = arith.constant 0 : i32
    %dma_start3A_116 = arith.constant 0 : i32
    %dma_start3A_117 = tpu.memref_slice %arg2[%dma_start3A_115, %add3A_114, %dma_start3A_116] : memref<4x32x4096xf32, #tpu.memory_space<hbm>> -> memref<1x8x4096xf32, #tpu.memory_space<hbm>>
    %dma_start3A_118 = tpu.memref_squeeze %dma_start3A_117 : memref<1x8x4096xf32, #tpu.memory_space<hbm>> -> memref<8x4096xf32, #tpu.memory_space<hbm>>
    %dma_start3A_119 = arith.constant 16 : i32
    %dma_start3A_120 = arith.constant 0 : i32
    %dma_start3A_121 = tpu.memref_slice %arg3[%dma_start3A_119, %dma_start3A_120] : memref<32x4096xf32, #tpu.memory_space<vmem_shared>> -> memref<8x4096xf32, #tpu.memory_space<vmem_shared>>
    tpu.enqueue_dma source(%dma_start3A_121 : memref<8x4096xf32, #tpu.memory_space<vmem_shared>>) target(%dma_start3A_118 : memref<8x4096xf32, #tpu.memory_space<hbm>>) target_semaphore(%arg5 : memref<!tpu.dma_semaphore, #tpu.memory_space<semaphore_mem>>)
    %add3A_122 = arith.constant 16 : i32
    %add3A_123 = arith.addi %mul3A_0, %add3A_122 : i32
    %dma_start3A_124 = arith.constant 1 : i32
    %dma_start3A_125 = arith.constant 0 : i32
    %dma_start3A_126 = tpu.memref_slice %arg2[%dma_start3A_124, %add3A_123, %dma_start3A_125] : memref<4x32x4096xf32, #tpu.memory_space<hbm>> -> memref<1x8x4096xf32, #tpu.memory_space<hbm>>
    %dma_start3A_127 = tpu.memref_squeeze %dma_start3A_126 : memref<1x8x4096xf32, #tpu.memory_space<hbm>> -> memref<8x4096xf32, #tpu.memory_space<hbm>>
    %dma_start3A_128 = arith.constant 16 : i32
    %dma_start3A_129 = arith.constant 0 : i32
    %dma_start3A_130 = tpu.memref_slice %arg3[%dma_start3A_128, %dma_start3A_129] : memref<32x4096xf32, #tpu.memory_space<vmem_shared>> -> memref<8x4096xf32, #tpu.memory_space<vmem_shared>>
    tpu.enqueue_dma source(%dma_start3A_130 : memref<8x4096xf32, #tpu.memory_space<vmem_shared>>) target(%dma_start3A_127 : memref<8x4096xf32, #tpu.memory_space<hbm>>) target_semaphore(%arg5 : memref<!tpu.dma_semaphore, #tpu.memory_space<semaphore_mem>>)
    %add3A_131 = arith.constant 16 : i32
    %add3A_132 = arith.addi %mul3A_0, %add3A_131 : i32
    %dma_start3A_133 = arith.constant 2 : i32
    %dma_start3A_134 = arith.constant 0 : i32
    %dma_start3A_135 = tpu.memref_slice %arg2[%dma_start3A_133, %add3A_132, %dma_start3A_134] : memref<4x32x4096xf32, #tpu.memory_space<hbm>> -> memref<1x8x4096xf32, #tpu.memory_space<hbm>>
    %dma_start3A_136 = tpu.memref_squeeze %dma_start3A_135 : memref<1x8x4096xf32, #tpu.memory_space<hbm>> -> memref<8x4096xf32, #tpu.memory_space<hbm>>
    %dma_start3A_137 = arith.constant 16 : i32
    %dma_start3A_138 = arith.constant 0 : i32
    %dma_start3A_139 = tpu.memref_slice %arg3[%dma_start3A_137, %dma_start3A_138] : memref<32x4096xf32, #tpu.memory_space<vmem_shared>> -> memref<8x4096xf32, #tpu.memory_space<vmem_shared>>
    tpu.enqueue_dma source(%dma_start3A_139 : memref<8x4096xf32, #tpu.memory_space<vmem_shared>>) target(%dma_start3A_136 : memref<8x4096xf32, #tpu.memory_space<hbm>>) target_semaphore(%arg5 : memref<!tpu.dma_semaphore, #tpu.memory_space<semaphore_mem>>)
    %add3A_140 = arith.constant 16 : i32
    %add3A_141 = arith.addi %mul3A_0, %add3A_140 : i32
    %dma_start3A_142 = arith.constant 3 : i32
    %dma_start3A_143 = arith.constant 0 : i32
    %dma_start3A_144 = tpu.memref_slice %arg2[%dma_start3A_142, %add3A_141, %dma_start3A_143] : memref<4x32x4096xf32, #tpu.memory_space<hbm>> -> memref<1x8x4096xf32, #tpu.memory_space<hbm>>
    %dma_start3A_145 = tpu.memref_squeeze %dma_start3A_144 : memref<1x8x4096xf32, #tpu.memory_space<hbm>> -> memref<8x4096xf32, #tpu.memory_space<hbm>>
    %dma_start3A_146 = arith.constant 16 : i32
    %dma_start3A_147 = arith.constant 0 : i32
    %dma_start3A_148 = tpu.memref_slice %arg3[%dma_start3A_146, %dma_start3A_147] : memref<32x4096xf32, #tpu.memory_space<vmem_shared>> -> memref<8x4096xf32, #tpu.memory_space<vmem_shared>>
    tpu.enqueue_dma source(%dma_start3A_148 : memref<8x4096xf32, #tpu.memory_space<vmem_shared>>) target(%dma_start3A_145 : memref<8x4096xf32, #tpu.memory_space<hbm>>) target_semaphore(%arg5 : memref<!tpu.dma_semaphore, #tpu.memory_space<semaphore_mem>>)
    %dma_wait3A_149 = arith.constant 24 : i32
    %dma_wait3A_150 = arith.constant 0 : i32
    %dma_wait3A_151 = tpu.memref_slice %arg3[%dma_wait3A_149, %dma_wait3A_150] : memref<32x4096xf32, #tpu.memory_space<vmem_shared>> -> memref<8x4096xf32, #tpu.memory_space<vmem_shared>>
    %dma_wait3A_152 = arith.constant 0 : i32
    %dma_wait3A_153 = tpu.memref_slice %arg1[%add3A_21, %dma_wait3A_152] : memref<32x4096xf32, #tpu.memory_space<hbm>> -> memref<8x4096xf32, #tpu.memory_space<hbm>>
    tpu.wait_dma2 semaphore(%arg4 : memref<!tpu.dma_semaphore, #tpu.memory_space<semaphore_mem>>) src(%dma_wait3A_153 : memref<8x4096xf32, #tpu.memory_space<hbm>>) dst(%dma_wait3A_151 : memref<8x4096xf32, #tpu.memory_space<vmem_shared>>)
    %add3A_154 = arith.constant 24 : i32
    %add3A_155 = arith.addi %mul3A_0, %add3A_154 : i32
    %dma_start3A_156 = arith.constant 0 : i32
    %dma_start3A_157 = arith.constant 0 : i32
    %dma_start3A_158 = tpu.memref_slice %arg2[%dma_start3A_156, %add3A_155, %dma_start3A_157] : memref<4x32x4096xf32, #tpu.memory_space<hbm>> -> memref<1x8x4096xf32, #tpu.memory_space<hbm>>
    %dma_start3A_159 = tpu.memref_squeeze %dma_start3A_158 : memref<1x8x4096xf32, #tpu.memory_space<hbm>> -> memref<8x4096xf32, #tpu.memory_space<hbm>>
    %dma_start3A_160 = arith.constant 24 : i32
    %dma_start3A_161 = arith.constant 0 : i32
    %dma_start3A_162 = tpu.memref_slice %arg3[%dma_start3A_160, %dma_start3A_161] : memref<32x4096xf32, #tpu.memory_space<vmem_shared>> -> memref<8x4096xf32, #tpu.memory_space<vmem_shared>>
    tpu.enqueue_dma source(%dma_start3A_162 : memref<8x4096xf32, #tpu.memory_space<vmem_shared>>) target(%dma_start3A_159 : memref<8x4096xf32, #tpu.memory_space<hbm>>) target_semaphore(%arg5 : memref<!tpu.dma_semaphore, #tpu.memory_space<semaphore_mem>>)
    %add3A_163 = arith.constant 24 : i32
    %add3A_164 = arith.addi %mul3A_0, %add3A_163 : i32
    %dma_start3A_165 = arith.constant 1 : i32
    %dma_start3A_166 = arith.constant 0 : i32
    %dma_start3A_167 = tpu.memref_slice %arg2[%dma_start3A_165, %add3A_164, %dma_start3A_166] : memref<4x32x4096xf32, #tpu.memory_space<hbm>> -> memref<1x8x4096xf32, #tpu.memory_space<hbm>>
    %dma_start3A_168 = tpu.memref_squeeze %dma_start3A_167 : memref<1x8x4096xf32, #tpu.memory_space<hbm>> -> memref<8x4096xf32, #tpu.memory_space<hbm>>
    %dma_start3A_169 = arith.constant 24 : i32
    %dma_start3A_170 = arith.constant 0 : i32
    %dma_start3A_171 = tpu.memref_slice %arg3[%dma_start3A_169, %dma_start3A_170] : memref<32x4096xf32, #tpu.memory_space<vmem_shared>> -> memref<8x4096xf32, #tpu.memory_space<vmem_shared>>
    tpu.enqueue_dma source(%dma_start3A_171 : memref<8x4096xf32, #tpu.memory_space<vmem_shared>>) target(%dma_start3A_168 : memref<8x4096xf32, #tpu.memory_space<hbm>>) target_semaphore(%arg5 : memref<!tpu.dma_semaphore, #tpu.memory_space<semaphore_mem>>)
    %add3A_172 = arith.constant 24 : i32
    %add3A_173 = arith.addi %mul3A_0, %add3A_172 : i32
    %dma_start3A_174 = arith.constant 2 : i32
    %dma_start3A_175 = arith.constant 0 : i32
    %dma_start3A_176 = tpu.memref_slice %arg2[%dma_start3A_174, %add3A_173, %dma_start3A_175] : memref<4x32x4096xf32, #tpu.memory_space<hbm>> -> memref<1x8x4096xf32, #tpu.memory_space<hbm>>
    %dma_start3A_177 = tpu.memref_squeeze %dma_start3A_176 : memref<1x8x4096xf32, #tpu.memory_space<hbm>> -> memref<8x4096xf32, #tpu.memory_space<hbm>>
    %dma_start3A_178 = arith.constant 24 : i32
    %dma_start3A_179 = arith.constant 0 : i32
    %dma_start3A_180 = tpu.memref_slice %arg3[%dma_start3A_178, %dma_start3A_179] : memref<32x4096xf32, #tpu.memory_space<vmem_shared>> -> memref<8x4096xf32, #tpu.memory_space<vmem_shared>>
    tpu.enqueue_dma source(%dma_start3A_180 : memref<8x4096xf32, #tpu.memory_space<vmem_shared>>) target(%dma_start3A_177 : memref<8x4096xf32, #tpu.memory_space<hbm>>) target_semaphore(%arg5 : memref<!tpu.dma_semaphore, #tpu.memory_space<semaphore_mem>>)
    %add3A_181 = arith.constant 24 : i32
    %add3A_182 = arith.addi %mul3A_0, %add3A_181 : i32
    %dma_start3A_183 = arith.constant 3 : i32
    %dma_start3A_184 = arith.constant 0 : i32
    %dma_start3A_185 = tpu.memref_slice %arg2[%dma_start3A_183, %add3A_182, %dma_start3A_184] : memref<4x32x4096xf32, #tpu.memory_space<hbm>> -> memref<1x8x4096xf32, #tpu.memory_space<hbm>>
    %dma_start3A_186 = tpu.memref_squeeze %dma_start3A_185 : memref<1x8x4096xf32, #tpu.memory_space<hbm>> -> memref<8x4096xf32, #tpu.memory_space<hbm>>
    %dma_start3A_187 = arith.constant 24 : i32
    %dma_start3A_188 = arith.constant 0 : i32
    %dma_start3A_189 = tpu.memref_slice %arg3[%dma_start3A_187, %dma_start3A_188] : memref<32x4096xf32, #tpu.memory_space<vmem_shared>> -> memref<8x4096xf32, #tpu.memory_space<vmem_shared>>
    tpu.enqueue_dma source(%dma_start3A_189 : memref<8x4096xf32, #tpu.memory_space<vmem_shared>>) target(%dma_start3A_186 : memref<8x4096xf32, #tpu.memory_space<hbm>>) target_semaphore(%arg5 : memref<!tpu.dma_semaphore, #tpu.memory_space<semaphore_mem>>)
    %dma_wait3A_190 = arith.constant 0 : i32
    %dma_wait3A_191 = arith.constant 0 : i32
    %dma_wait3A_192 = tpu.memref_slice %arg2[%dma_wait3A_190, %add3A_32, %dma_wait3A_191] : memref<4x32x4096xf32, #tpu.memory_space<hbm>> -> memref<1x8x4096xf32, #tpu.memory_space<hbm>>
    %dma_wait3A_193 = tpu.memref_squeeze %dma_wait3A_192 : memref<1x8x4096xf32, #tpu.memory_space<hbm>> -> memref<8x4096xf32, #tpu.memory_space<hbm>>
    %dma_wait3A_194 = arith.constant 0 : i32
    %dma_wait3A_195 = arith.constant 0 : i32
    %dma_wait3A_196 = tpu.memref_slice %arg3[%dma_wait3A_194, %dma_wait3A_195] : memref<32x4096xf32, #tpu.memory_space<vmem_shared>> -> memref<8x4096xf32, #tpu.memory_space<vmem_shared>>
    tpu.wait_dma2 semaphore(%arg5 : memref<!tpu.dma_semaphore, #tpu.memory_space<semaphore_mem>>) src(%dma_wait3A_196 : memref<8x4096xf32, #tpu.memory_space<vmem_shared>>) dst(%dma_wait3A_193 : memref<8x4096xf32, #tpu.memory_space<hbm>>)
    %dma_wait3A_197 = arith.constant 1 : i32
    %dma_wait3A_198 = arith.constant 0 : i32
    %dma_wait3A_199 = tpu.memref_slice %arg2[%dma_wait3A_197, %add3A_41, %dma_wait3A_198] : memref<4x32x4096xf32, #tpu.memory_space<hbm>> -> memref<1x8x4096xf32, #tpu.memory_space<hbm>>
    %dma_wait3A_200 = tpu.memref_squeeze %dma_wait3A_199 : memref<1x8x4096xf32, #tpu.memory_space<hbm>> -> memref<8x4096xf32, #tpu.memory_space<hbm>>
    %dma_wait3A_201 = arith.constant 0 : i32
    %dma_wait3A_202 = arith.constant 0 : i32
    %dma_wait3A_203 = tpu.memref_slice %arg3[%dma_wait3A_201, %dma_wait3A_202] : memref<32x4096xf32, #tpu.memory_space<vmem_shared>> -> memref<8x4096xf32, #tpu.memory_space<vmem_shared>>
    tpu.wait_dma2 semaphore(%arg5 : memref<!tpu.dma_semaphore, #tpu.memory_space<semaphore_mem>>) src(%dma_wait3A_203 : memref<8x4096xf32, #tpu.memory_space<vmem_shared>>) dst(%dma_wait3A_200 : memref<8x4096xf32, #tpu.memory_space<hbm>>)
    %dma_wait3A_204 = arith.constant 2 : i32
    %dma_wait3A_205 = arith.constant 0 : i32
    %dma_wait3A_206 = tpu.memref_slice %arg2[%dma_wait3A_204, %add3A_50, %dma_wait3A_205] : memref<4x32x4096xf32, #tpu.memory_space<hbm>> -> memref<1x8x4096xf32, #tpu.memory_space<hbm>>
    %dma_wait3A_207 = tpu.memref_squeeze %dma_wait3A_206 : memref<1x8x4096xf32, #tpu.memory_space<hbm>> -> memref<8x4096xf32, #tpu.memory_space<hbm>>
    %dma_wait3A_208 = arith.constant 0 : i32
    %dma_wait3A_209 = arith.constant 0 : i32
    %dma_wait3A_210 = tpu.memref_slice %arg3[%dma_wait3A_208, %dma_wait3A_209] : memref<32x4096xf32, #tpu.memory_space<vmem_shared>> -> memref<8x4096xf32, #tpu.memory_space<vmem_shared>>
    tpu.wait_dma2 semaphore(%arg5 : memref<!tpu.dma_semaphore, #tpu.memory_space<semaphore_mem>>) src(%dma_wait3A_210 : memref<8x4096xf32, #tpu.memory_space<vmem_shared>>) dst(%dma_wait3A_207 : memref<8x4096xf32, #tpu.memory_space<hbm>>)
    %dma_wait3A_211 = arith.constant 3 : i32
    %dma_wait3A_212 = arith.constant 0 : i32
    %dma_wait3A_213 = tpu.memref_slice %arg2[%dma_wait3A_211, %add3A_59, %dma_wait3A_212] : memref<4x32x4096xf32, #tpu.memory_space<hbm>> -> memref<1x8x4096xf32, #tpu.memory_space<hbm>>
    %dma_wait3A_214 = tpu.memref_squeeze %dma_wait3A_213 : memref<1x8x4096xf32, #tpu.memory_space<hbm>> -> memref<8x4096xf32, #tpu.memory_space<hbm>>
    %dma_wait3A_215 = arith.constant 0 : i32
    %dma_wait3A_216 = arith.constant 0 : i32
    %dma_wait3A_217 = tpu.memref_slice %arg3[%dma_wait3A_215, %dma_wait3A_216] : memref<32x4096xf32, #tpu.memory_space<vmem_shared>> -> memref<8x4096xf32, #tpu.memory_space<vmem_shared>>
    tpu.wait_dma2 semaphore(%arg5 : memref<!tpu.dma_semaphore, #tpu.memory_space<semaphore_mem>>) src(%dma_wait3A_217 : memref<8x4096xf32, #tpu.memory_space<vmem_shared>>) dst(%dma_wait3A_214 : memref<8x4096xf32, #tpu.memory_space<hbm>>)
    %dma_wait3A_218 = arith.constant 0 : i32
    %dma_wait3A_219 = arith.constant 0 : i32
    %dma_wait3A_220 = tpu.memref_slice %arg2[%dma_wait3A_218, %add3A_73, %dma_wait3A_219] : memref<4x32x4096xf32, #tpu.memory_space<hbm>> -> memref<1x8x4096xf32, #tpu.memory_space<hbm>>
    %dma_wait3A_221 = tpu.memref_squeeze %dma_wait3A_220 : memref<1x8x4096xf32, #tpu.memory_space<hbm>> -> memref<8x4096xf32, #tpu.memory_space<hbm>>
    %dma_wait3A_222 = arith.constant 8 : i32
    %dma_wait3A_223 = arith.constant 0 : i32
    %dma_wait3A_224 = tpu.memref_slice %arg3[%dma_wait3A_222, %dma_wait3A_223] : memref<32x4096xf32, #tpu.memory_space<vmem_shared>> -> memref<8x4096xf32, #tpu.memory_space<vmem_shared>>
    tpu.wait_dma2 semaphore(%arg5 : memref<!tpu.dma_semaphore, #tpu.memory_space<semaphore_mem>>) src(%dma_wait3A_224 : memref<8x4096xf32, #tpu.memory_space<vmem_shared>>) dst(%dma_wait3A_221 : memref<8x4096xf32, #tpu.memory_space<hbm>>)
    %dma_wait3A_225 = arith.constant 1 : i32
    %dma_wait3A_226 = arith.constant 0 : i32
    %dma_wait3A_227 = tpu.memref_slice %arg2[%dma_wait3A_225, %add3A_82, %dma_wait3A_226] : memref<4x32x4096xf32, #tpu.memory_space<hbm>> -> memref<1x8x4096xf32, #tpu.memory_space<hbm>>
    %dma_wait3A_228 = tpu.memref_squeeze %dma_wait3A_227 : memref<1x8x4096xf32, #tpu.memory_space<hbm>> -> memref<8x4096xf32, #tpu.memory_space<hbm>>
    %dma_wait3A_229 = arith.constant 8 : i32
    %dma_wait3A_230 = arith.constant 0 : i32
    %dma_wait3A_231 = tpu.memref_slice %arg3[%dma_wait3A_229, %dma_wait3A_230] : memref<32x4096xf32, #tpu.memory_space<vmem_shared>> -> memref<8x4096xf32, #tpu.memory_space<vmem_shared>>
    tpu.wait_dma2 semaphore(%arg5 : memref<!tpu.dma_semaphore, #tpu.memory_space<semaphore_mem>>) src(%dma_wait3A_231 : memref<8x4096xf32, #tpu.memory_space<vmem_shared>>) dst(%dma_wait3A_228 : memref<8x4096xf32, #tpu.memory_space<hbm>>)
    %dma_wait3A_232 = arith.constant 2 : i32
    %dma_wait3A_233 = arith.constant 0 : i32
    %dma_wait3A_234 = tpu.memref_slice %arg2[%dma_wait3A_232, %add3A_91, %dma_wait3A_233] : memref<4x32x4096xf32, #tpu.memory_space<hbm>> -> memref<1x8x4096xf32, #tpu.memory_space<hbm>>
    %dma_wait3A_235 = tpu.memref_squeeze %dma_wait3A_234 : memref<1x8x4096xf32, #tpu.memory_space<hbm>> -> memref<8x4096xf32, #tpu.memory_space<hbm>>
    %dma_wait3A_236 = arith.constant 8 : i32
    %dma_wait3A_237 = arith.constant 0 : i32
    %dma_wait3A_238 = tpu.memref_slice %arg3[%dma_wait3A_236, %dma_wait3A_237] : memref<32x4096xf32, #tpu.memory_space<vmem_shared>> -> memref<8x4096xf32, #tpu.memory_space<vmem_shared>>
    tpu.wait_dma2 semaphore(%arg5 : memref<!tpu.dma_semaphore, #tpu.memory_space<semaphore_mem>>) src(%dma_wait3A_238 : memref<8x4096xf32, #tpu.memory_space<vmem_shared>>) dst(%dma_wait3A_235 : memref<8x4096xf32, #tpu.memory_space<hbm>>)
    %dma_wait3A_239 = arith.constant 3 : i32
    %dma_wait3A_240 = arith.constant 0 : i32
    %dma_wait3A_241 = tpu.memref_slice %arg2[%dma_wait3A_239, %add3A_100, %dma_wait3A_240] : memref<4x32x4096xf32, #tpu.memory_space<hbm>> -> memref<1x8x4096xf32, #tpu.memory_space<hbm>>
    %dma_wait3A_242 = tpu.memref_squeeze %dma_wait3A_241 : memref<1x8x4096xf32, #tpu.memory_space<hbm>> -> memref<8x4096xf32, #tpu.memory_space<hbm>>
    %dma_wait3A_243 = arith.constant 8 : i32
    %dma_wait3A_244 = arith.constant 0 : i32
    %dma_wait3A_245 = tpu.memref_slice %arg3[%dma_wait3A_243, %dma_wait3A_244] : memref<32x4096xf32, #tpu.memory_space<vmem_shared>> -> memref<8x4096xf32, #tpu.memory_space<vmem_shared>>
    tpu.wait_dma2 semaphore(%arg5 : memref<!tpu.dma_semaphore, #tpu.memory_space<semaphore_mem>>) src(%dma_wait3A_245 : memref<8x4096xf32, #tpu.memory_space<vmem_shared>>) dst(%dma_wait3A_242 : memref<8x4096xf32, #tpu.memory_space<hbm>>)
    %dma_wait3A_246 = arith.constant 0 : i32
    %dma_wait3A_247 = arith.constant 0 : i32
    %dma_wait3A_248 = tpu.memref_slice %arg2[%dma_wait3A_246, %add3A_114, %dma_wait3A_247] : memref<4x32x4096xf32, #tpu.memory_space<hbm>> -> memref<1x8x4096xf32, #tpu.memory_space<hbm>>
    %dma_wait3A_249 = tpu.memref_squeeze %dma_wait3A_248 : memref<1x8x4096xf32, #tpu.memory_space<hbm>> -> memref<8x4096xf32, #tpu.memory_space<hbm>>
    %dma_wait3A_250 = arith.constant 16 : i32
    %dma_wait3A_251 = arith.constant 0 : i32
    %dma_wait3A_252 = tpu.memref_slice %arg3[%dma_wait3A_250, %dma_wait3A_251] : memref<32x4096xf32, #tpu.memory_space<vmem_shared>> -> memref<8x4096xf32, #tpu.memory_space<vmem_shared>>
    tpu.wait_dma2 semaphore(%arg5 : memref<!tpu.dma_semaphore, #tpu.memory_space<semaphore_mem>>) src(%dma_wait3A_252 : memref<8x4096xf32, #tpu.memory_space<vmem_shared>>) dst(%dma_wait3A_249 : memref<8x4096xf32, #tpu.memory_space<hbm>>)
    %dma_wait3A_253 = arith.constant 1 : i32
    %dma_wait3A_254 = arith.constant 0 : i32
    %dma_wait3A_255 = tpu.memref_slice %arg2[%dma_wait3A_253, %add3A_123, %dma_wait3A_254] : memref<4x32x4096xf32, #tpu.memory_space<hbm>> -> memref<1x8x4096xf32, #tpu.memory_space<hbm>>
    %dma_wait3A_256 = tpu.memref_squeeze %dma_wait3A_255 : memref<1x8x4096xf32, #tpu.memory_space<hbm>> -> memref<8x4096xf32, #tpu.memory_space<hbm>>
    %dma_wait3A_257 = arith.constant 16 : i32
    %dma_wait3A_258 = arith.constant 0 : i32
    %dma_wait3A_259 = tpu.memref_slice %arg3[%dma_wait3A_257, %dma_wait3A_258] : memref<32x4096xf32, #tpu.memory_space<vmem_shared>> -> memref<8x4096xf32, #tpu.memory_space<vmem_shared>>
    tpu.wait_dma2 semaphore(%arg5 : memref<!tpu.dma_semaphore, #tpu.memory_space<semaphore_mem>>) src(%dma_wait3A_259 : memref<8x4096xf32, #tpu.memory_space<vmem_shared>>) dst(%dma_wait3A_256 : memref<8x4096xf32, #tpu.memory_space<hbm>>)
    %dma_wait3A_260 = arith.constant 2 : i32
    %dma_wait3A_261 = arith.constant 0 : i32
    %dma_wait3A_262 = tpu.memref_slice %arg2[%dma_wait3A_260, %add3A_132, %dma_wait3A_261] : memref<4x32x4096xf32, #tpu.memory_space<hbm>> -> memref<1x8x4096xf32, #tpu.memory_space<hbm>>
    %dma_wait3A_263 = tpu.memref_squeeze %dma_wait3A_262 : memref<1x8x4096xf32, #tpu.memory_space<hbm>> -> memref<8x4096xf32, #tpu.memory_space<hbm>>
    %dma_wait3A_264 = arith.constant 16 : i32
    %dma_wait3A_265 = arith.constant 0 : i32
    %dma_wait3A_266 = tpu.memref_slice %arg3[%dma_wait3A_264, %dma_wait3A_265] : memref<32x4096xf32, #tpu.memory_space<vmem_shared>> -> memref<8x4096xf32, #tpu.memory_space<vmem_shared>>
    tpu.wait_dma2 semaphore(%arg5 : memref<!tpu.dma_semaphore, #tpu.memory_space<semaphore_mem>>) src(%dma_wait3A_266 : memref<8x4096xf32, #tpu.memory_space<vmem_shared>>) dst(%dma_wait3A_263 : memref<8x4096xf32, #tpu.memory_space<hbm>>)
    %dma_wait3A_267 = arith.constant 3 : i32
    %dma_wait3A_268 = arith.constant 0 : i32
    %dma_wait3A_269 = tpu.memref_slice %arg2[%dma_wait3A_267, %add3A_141, %dma_wait3A_268] : memref<4x32x4096xf32, #tpu.memory_space<hbm>> -> memref<1x8x4096xf32, #tpu.memory_space<hbm>>
    %dma_wait3A_270 = tpu.memref_squeeze %dma_wait3A_269 : memref<1x8x4096xf32, #tpu.memory_space<hbm>> -> memref<8x4096xf32, #tpu.memory_space<hbm>>
    %dma_wait3A_271 = arith.constant 16 : i32
    %dma_wait3A_272 = arith.constant 0 : i32
    %dma_wait3A_273 = tpu.memref_slice %arg3[%dma_wait3A_271, %dma_wait3A_272] : memref<32x4096xf32, #tpu.memory_space<vmem_shared>> -> memref<8x4096xf32, #tpu.memory_space<vmem_shared>>
    tpu.wait_dma2 semaphore(%arg5 : memref<!tpu.dma_semaphore, #tpu.memory_space<semaphore_mem>>) src(%dma_wait3A_273 : memref<8x4096xf32, #tpu.memory_space<vmem_shared>>) dst(%dma_wait3A_270 : memref<8x4096xf32, #tpu.memory_space<hbm>>)
    %dma_wait3A_274 = arith.constant 0 : i32
    %dma_wait3A_275 = arith.constant 0 : i32
    %dma_wait3A_276 = tpu.memref_slice %arg2[%dma_wait3A_274, %add3A_155, %dma_wait3A_275] : memref<4x32x4096xf32, #tpu.memory_space<hbm>> -> memref<1x8x4096xf32, #tpu.memory_space<hbm>>
    %dma_wait3A_277 = tpu.memref_squeeze %dma_wait3A_276 : memref<1x8x4096xf32, #tpu.memory_space<hbm>> -> memref<8x4096xf32, #tpu.memory_space<hbm>>
    %dma_wait3A_278 = arith.constant 24 : i32
    %dma_wait3A_279 = arith.constant 0 : i32
    %dma_wait3A_280 = tpu.memref_slice %arg3[%dma_wait3A_278, %dma_wait3A_279] : memref<32x4096xf32, #tpu.memory_space<vmem_shared>> -> memref<8x4096xf32, #tpu.memory_space<vmem_shared>>
    tpu.wait_dma2 semaphore(%arg5 : memref<!tpu.dma_semaphore, #tpu.memory_space<semaphore_mem>>) src(%dma_wait3A_280 : memref<8x4096xf32, #tpu.memory_space<vmem_shared>>) dst(%dma_wait3A_277 : memref<8x4096xf32, #tpu.memory_space<hbm>>)
    %dma_wait3A_281 = arith.constant 1 : i32
    %dma_wait3A_282 = arith.constant 0 : i32
    %dma_wait3A_283 = tpu.memref_slice %arg2[%dma_wait3A_281, %add3A_164, %dma_wait3A_282] : memref<4x32x4096xf32, #tpu.memory_space<hbm>> -> memref<1x8x4096xf32, #tpu.memory_space<hbm>>
    %dma_wait3A_284 = tpu.memref_squeeze %dma_wait3A_283 : memref<1x8x4096xf32, #tpu.memory_space<hbm>> -> memref<8x4096xf32, #tpu.memory_space<hbm>>
    %dma_wait3A_285 = arith.constant 24 : i32
    %dma_wait3A_286 = arith.constant 0 : i32
    %dma_wait3A_287 = tpu.memref_slice %arg3[%dma_wait3A_285, %dma_wait3A_286] : memref<32x4096xf32, #tpu.memory_space<vmem_shared>> -> memref<8x4096xf32, #tpu.memory_space<vmem_shared>>
    tpu.wait_dma2 semaphore(%arg5 : memref<!tpu.dma_semaphore, #tpu.memory_space<semaphore_mem>>) src(%dma_wait3A_287 : memref<8x4096xf32, #tpu.memory_space<vmem_shared>>) dst(%dma_wait3A_284 : memref<8x4096xf32, #tpu.memory_space<hbm>>)
    %dma_wait3A_288 = arith.constant 2 : i32
    %dma_wait3A_289 = arith.constant 0 : i32
    %dma_wait3A_290 = tpu.memref_slice %arg2[%dma_wait3A_288, %add3A_173, %dma_wait3A_289] : memref<4x32x4096xf32, #tpu.memory_space<hbm>> -> memref<1x8x4096xf32, #tpu.memory_space<hbm>>
    %dma_wait3A_291 = tpu.memref_squeeze %dma_wait3A_290 : memref<1x8x4096xf32, #tpu.memory_space<hbm>> -> memref<8x4096xf32, #tpu.memory_space<hbm>>
    %dma_wait3A_292 = arith.constant 24 : i32
    %dma_wait3A_293 = arith.constant 0 : i32
    %dma_wait3A_294 = tpu.memref_slice %arg3[%dma_wait3A_292, %dma_wait3A_293] : memref<32x4096xf32, #tpu.memory_space<vmem_shared>> -> memref<8x4096xf32, #tpu.memory_space<vmem_shared>>
    tpu.wait_dma2 semaphore(%arg5 : memref<!tpu.dma_semaphore, #tpu.memory_space<semaphore_mem>>) src(%dma_wait3A_294 : memref<8x4096xf32, #tpu.memory_space<vmem_shared>>) dst(%dma_wait3A_291 : memref<8x4096xf32, #tpu.memory_space<hbm>>)
    %dma_wait3A_295 = arith.constant 3 : i32
    %dma_wait3A_296 = arith.constant 0 : i32
    %dma_wait3A_297 = tpu.memref_slice %arg2[%dma_wait3A_295, %add3A_182, %dma_wait3A_296] : memref<4x32x4096xf32, #tpu.memory_space<hbm>> -> memref<1x8x4096xf32, #tpu.memory_space<hbm>>
    %dma_wait3A_298 = tpu.memref_squeeze %dma_wait3A_297 : memref<1x8x4096xf32, #tpu.memory_space<hbm>> -> memref<8x4096xf32, #tpu.memory_space<hbm>>
    %dma_wait3A_299 = arith.constant 24 : i32
    %dma_wait3A_300 = arith.constant 0 : i32
    %dma_wait3A_301 = tpu.memref_slice %arg3[%dma_wait3A_299, %dma_wait3A_300] : memref<32x4096xf32, #tpu.memory_space<vmem_shared>> -> memref<8x4096xf32, #tpu.memory_space<vmem_shared>>
    tpu.wait_dma2 semaphore(%arg5 : memref<!tpu.dma_semaphore, #tpu.memory_space<semaphore_mem>>) src(%dma_wait3A_301 : memref<8x4096xf32, #tpu.memory_space<vmem_shared>>) dst(%dma_wait3A_298 : memref<8x4096xf32, #tpu.memory_space<hbm>>)
    return
  }
}

</mosaic_0001>

<sc_bundles>
// kernel: kernel.3.cloned.1.call-start
scs
__scs_entry_jumppad:
0x0: {  	(pc) =	sbr.rel $0x88, $3  }
0x1: {  	(tag) =	ssettag $0x0;
	lr =	simm.s32 $0x1  }
0x2: {  	[smem:$0x3FA0] =	sst lr;
	_ =	strace $0xD0000000  }
0x3: {  	_ = 	snop  }
0x4: {  	_ = 	snop  }
0x5: {  	_ = 	snop  }
0x6: {  	_ = 	snop  }
0x7: {  	_ = 	snop  }
__scs_overlays_trampoline_lowered:
0x8: {  	[smem:$0x3FAF] =	sst s0  }
0x9: {  	[smem:$0x3FB0] =	sst s1  }
0xa: {  	[smem:$0x3FB1] =	sst s2  }
0xb: {  	[smem:$0x3FB2] =	sst s3  }
0xc: {  	[smem:$0x3FB3] =	sst s4  }
0xd: {  	[smem:$0x3FB4] =	sst s5  }
0xe: {  	[smem:$0x3FB5] =	sst s6  }
0xf: {  	[smem:$0x3FB6] =	sst s7  }
0x10: {  	[smem:$0x3FB7] =	sst s8  }
0x11: {  	[smem:$0x3FB8] =	sst s9;
	s0 =	simm.s32 @!p0 $0x0  }
0x12: {  	s1 =	sld [smem:$0x3F9E];
	s0 =	simm.s32 @p0 $0x1  }
0x13: {  	[smem:$0x3FB9] =	sst s0;
	s0 =	simm.s32 @!p1 $0x0  }
0x14: {  	s2 =	sld [smem:$0x3F9D];
	s0 =	simm.s32 @p1 $0x1  }
0x15: {  	[smem:$0x3FBA] =	sst s0;
	s0 =	simm.s32 @!p2 $0x0  }
0x16: {  	s3 =	sld [smem:$0x3FDB];
	s0 =	simm.s32 @p2 $0x1  }
0x17: {  	s4 =	simm.s32 $0x1BF5;
	[smem:$0x3FBC] =	sst s0  }
0x18: {  	s0 =	sld [smem:$0x3F9F];
	_ =	swait.ge [sflag:s4], $0x0  }
0x19: {  	s7 =	sld [smem:$0x3FA0]  }
0x1a: {  	s8 =	sadd.s32 $0xFFFFE003, lr  }
0x1b: {  	s9 =	sadd.s32 $0xFFFFFEF7, lr;
	s5 =	simm.s32 $0xFFFFFFFF;
	p2 =	slt.u32 s8, $0xFFFFF086  }
0x1c: {  	p1 =	slt.u32 s9, $0xF7A;
	s5 =	simm.s32 @!p2 $0x0  }
0x1d: {  	s5 =	simm.s32 @p1 $0x1;
	p0 =	seq.s32 s7, s2  }
0x1e: {  	s7 =	smul.u32 @!p0 $0xF7A, s2;
	p2 =	seq.s32 @!p0 s5, $0x0  }
0x1f: {  	s9 =	smul.u32 $0xF7A, s1;
	s8 =	simm.s32 @!p0 $0x1BF5;
	p2 =	por !p2, p0  }
0x20: {  	[sflag:s8] =	ssyncset.s32 @!p0 $0xFFFFF086;
	s6 =	sadd.s32 @!p0 s3, s7;
	s7 =	simm.s32 @!p0 $0x108  }
0x21: {  	s3 =	sadd.s32 s3, s9;
	s6 =	sadd.s32 @!p0 $0x88, s6;
	s7 =	simm.s32 @p2 $0x1082  }
0x22: {  	[simem:s7], [sflag:s8] =	dma.local @!p0 [hbm:s6], $0xF7A  }
0x23: {  	s9 =	sor.u32 $0xD0000000, s2;
	s6 =	simm.s32 $0x108;
	_ =	swait.ge @!p0 [sflag:s8], $0x0  }
0x24: {  	s3 =	sadd.s32 $0x88, s3;
	s6 =	simm.s32 @!p1 $0x1082;
	[sflag:s4] =	ssyncset.s32 $0xFFFFF086  }
0x25: {  	[simem:s6], [sflag:s4] =	dma.local [hbm:s3], $0xF7A  }
0x26: {  	[smem:$0x3FA0] =	sst s1;
	(tag) =	ssettag s2;
	_ =	strace s9  }
0x27: {  	s1 =	sld [smem:$0x3FB0]  }
0x28: {  	s2 =	sld [smem:$0x3FB1]  }
0x29: {  	s4 =	sld [smem:$0x3FB3]  }
0x2a: {  	p0 =	seq.s32 s5, $0x0;
	s5 =	sld [smem:$0x3FB4]  }
0x2b: {  	s6 =	sld [smem:$0x3FB5]  }
0x2c: {  	s7 =	sld [smem:$0x3FB6]  }
0x2d: {  	s3 =	simm.s32 $0x108;
	s8 =	sld [smem:$0x3FB7]  }
0x2e: {  	s3 =	simm.s32 @!p0 $0x1082;
	s9 =	sld [smem:$0x3FB8]  }
0x2f: {  	lr =	sadd.s32 s0, s3;
	s0 =	sld [smem:$0x3FAF]  }
0x30: {  	s3 =	sld [smem:$0x3FB2]  }
0x31: {  	[smem:$0x3FBB] =	sst s10  }
0x32: {  	s10 =	sld [smem:$0x3FB9];
	_ =	sdelay $0x3  }
0x33: {  	p0 =	seq.s32 s10, $0x1;
	s10 =	sld [smem:$0x3FBB];
	_ =	sdelay $0x3  }
0x34: {  	[smem:$0x3FBB] =	sst s10  }
0x35: {  	s10 =	sld [smem:$0x3FBA];
	_ =	sdelay $0x3  }
0x36: {  	p1 =	seq.s32 s10, $0x1;
	s10 =	sld [smem:$0x3FBB];
	_ =	sdelay $0x3  }
0x37: {  	[smem:$0x3FBB] =	sst s10  }
0x38: {  	s10 =	sld [smem:$0x3FBC]  }
0x39: {  	_ = 	snop;
	(pc) =	sbr.ind lr, $3  }
0x3a: {  	_ = 	snop  }
0x3b: {  	_ = 	snop  }
0x3c: {  	p2 =	seq.s32 s10, $0x1;
	s10 =	sld [smem:$0x3FBB]  }
0x3d: {  	_ =	shalt  }
0x3e: {  	_ =	shalt  }
0x3f: {  	_ =	shalt  }
0x40: {  	_ =	shalt  }
0x41: {  	_ =	shalt  }
0x42: {  	_ =	shalt  }
0x43: {  	_ =	shalt  }
0x44: {  	_ =	shalt  }
0x45: {  	_ =	shalt  }
0x46: {  	_ =	shalt  }
0x47: {  	_ =	shalt  }
0x48: {  	_ =	shalt  }
0x49: {  	_ =	shalt  }
0x4a: {  	_ =	shalt  }
0x4b: {  	_ =	shalt  }
0x4c: {  	_ =	shalt  }
0x4d: {  	_ =	shalt  }
0x4e: {  	_ =	shalt  }
0x4f: {  	_ =	shalt  }
0x50: {  	_ =	shalt  }
0x51: {  	_ =	shalt  }
0x52: {  	_ =	shalt  }
0x53: {  	_ =	shalt  }
0x54: {  	_ =	shalt  }
0x55: {  	_ =	shalt  }
0x56: {  	_ =	shalt  }
0x57: {  	_ =	shalt  }
0x58: {  	_ =	shalt  }
0x59: {  	_ =	shalt  }
0x5a: {  	_ =	shalt  }
0x5b: {  	_ =	shalt  }
0x5c: {  	_ =	shalt  }
0x5d: {  	_ =	shalt  }
0x5e: {  	_ =	shalt  }
0x5f: {  	_ =	shalt  }
0x60: {  	_ =	shalt  }
0x61: {  	_ =	shalt  }
0x62: {  	_ =	shalt  }
0x63: {  	_ =	shalt  }
0x64: {  	_ =	shalt  }
0x65: {  	_ =	shalt  }
0x66: {  	_ =	shalt  }
0x67: {  	_ =	shalt  }
0x68: {  	_ =	shalt  }
0x69: {  	_ =	shalt  }
0x6a: {  	_ =	shalt  }
0x6b: {  	_ =	shalt  }
0x6c: {  	_ =	shalt  }
0x6d: {  	_ =	shalt  }
0x6e: {  	_ =	shalt  }
0x6f: {  	_ =	shalt  }
0x70: {  	_ =	shalt  }
0x71: {  	_ =	shalt  }
0x72: {  	_ =	shalt  }
0x73: {  	_ =	shalt  }
0x74: {  	_ =	shalt  }
0x75: {  	_ =	shalt  }
0x76: {  	_ =	shalt  }
0x77: {  	_ =	shalt  }
0x78: {  	_ =	shalt  }
0x79: {  	_ =	shalt  }
0x7a: {  	_ =	shalt  }
0x7b: {  	_ =	shalt  }
0x7c: {  	_ =	shalt  }
0x7d: {  	_ =	shalt  }
0x7e: {  	_ =	shalt  }
0x7f: {  	_ =	shalt  }
0x80: {  	_ =	shalt  }
0x81: {  	_ =	shalt  }
0x82: {  	_ =	shalt  }
0x83: {  	_ =	shalt  }
0x84: {  	_ =	shalt  }
0x85: {  	_ =	shalt  }
0x86: {  	_ =	shalt  }
0x87: {  	_ =	shalt  }
.Lfunc_end0:
.L_simem_size_0:
called_computation_lowered:
.L_overlay_start_0:
0x88: {  	s0 =	sld [smem:$0x3FD9]  }
0x89: {  	s1 =	sld [smem:$0x3FFE];
	_ =	sdelay $0x3  }
0x8a: {  	s0 =	sadd.s32 s1, s0  }
0x8b: {  	s2 =	simm.s32 $0x0;
	[smem:$0x3FC7] =	sst s0  }
0x8c: {  	[smem:$0xF] =	sst s2  }
0x8d: {  	s0 =	sld [smem:$0x3FC9]  }
0x8e: {  	s31 =	sld [smem:$0x3FD0];
	(tm) =	ssettm $0x1  }
0x8f: {  	s3 =	sld [smem:$0x3FFB];
	_ =	sdelay $0x3  }
0x90: {  	_ =	strace s3  }
0x91: {  	s3 =	sld [smem:$0x3FFC];
	_ =	sdelay $0x3  }
0x92: {  	_ =	strace s3  }
0x93: {  	s3 =	sld [smem:$0x3FFD];
	_ =	sdelay $0x3  }
0x94: {  	_ =	strace s3  }
0x95: {  	s8 =	simm.s32 $0x1B8B;
	_ =	strace $0x8FFFFFFF  }
0x96: {  	_ =	swait.ge [sflag:s8], $0x1  }
0x97: {  	[sflag:s8] =	ssyncset.done $0x0  }
0x98: {  	s9 =	simm.s32 $0x1B8E;
	[sflag:s8] =	ssyncadd.s32 $0xFFFFFFFF  }
0x99: {  	s10 =	simm.s32 $0x9;
	s5 =	simm.s32 $0x1000;
	[smem:$0x3FD2] =	sst s9  }
0x9a: {  	s6 =	simm.s32 $0x2000;
	s12 =	simm.s32 $0x3000;
	_ =	strace $0x80000046  }
0x9b: {  	[spmem:s2], [sflag:s10] =	dma.local [hbm:s0], $0x1000  }
0x9c: {  	s4 =	sadd.s32 $0x1000, s0;
	s11 =	sadd.s32 $0x2000, s0;
	s0 =	sadd.s32 $0x3000, s0  }
0x9d: {  	[spmem:s5], [sflag:s10] =	dma.local [hbm:s4], $0x1000  }
0x9e: {  	[spmem:s6], [sflag:s10] =	dma.local [hbm:s11], $0x1000  }
0x9f: {  	[spmem:s12], [sflag:s10] =	dma.local [hbm:s0], $0x1000  }
0xa0: {  	_ =	swait.ge [sflag:s10], $0x1000  }
0xa1: {  	s13 =	simm.s32 $0xA;
	s7 =	sadd.s32 $0x4000, s31;
	[sflag:s10] =	ssyncset.done $0x0  }
0xa2: {  	s14 =	sadd.s32 $0x8000, s31;
	s15 =	sadd.s32 $0xC000, s31;
	[sflag:s10] =	ssyncadd.s32 $0xFFFFF000  }
0xa3: {  	[hbm:s31], [sflag:s13] =	dma.local [spmem:s2], $0x1000  }
0xa4: {  	[hbm:s7], [sflag:s13] =	dma.local [spmem:s2], $0x1000  }
0xa5: {  	[hbm:s14], [sflag:s13] =	dma.local [spmem:s2], $0x1000  }
0xa6: {  	[hbm:s15], [sflag:s13] =	dma.local [spmem:s2], $0x1000  }
0xa7: {  	_ =	swait.ge [sflag:s10], $0x1000  }
0xa8: {  	s16 =	sadd.s32 $0x1000, s31;
	s17 =	sadd.s32 $0x5000, s31;
	[sflag:s10] =	ssyncset.done $0x0  }
0xa9: {  	s18 =	sadd.s32 $0x9000, s31;
	s19 =	sadd.s32 $0xD000, s31;
	[sflag:s10] =	ssyncadd.s32 $0xFFFFF000  }
0xaa: {  	[hbm:s16], [sflag:s13] =	dma.local [spmem:s5], $0x1000  }
0xab: {  	[hbm:s17], [sflag:s13] =	dma.local [spmem:s5], $0x1000  }
0xac: {  	[hbm:s18], [sflag:s13] =	dma.local [spmem:s5], $0x1000  }
0xad: {  	[hbm:s19], [sflag:s13] =	dma.local [spmem:s5], $0x1000  }
0xae: {  	_ =	swait.ge [sflag:s10], $0x1000  }
0xaf: {  	s20 =	sadd.s32 $0x2000, s31;
	s21 =	sadd.s32 $0x6000, s31;
	[sflag:s10] =	ssyncset.done $0x0  }
0xb0: {  	s22 =	sadd.s32 $0xA000, s31;
	s23 =	sadd.s32 $0xE000, s31;
	[sflag:s10] =	ssyncadd.s32 $0xFFFFF000  }
0xb1: {  	[hbm:s20], [sflag:s13] =	dma.local [spmem:s6], $0x1000  }
0xb2: {  	[hbm:s21], [sflag:s13] =	dma.local [spmem:s6], $0x1000  }
0xb3: {  	[hbm:s22], [sflag:s13] =	dma.local [spmem:s6], $0x1000  }
0xb4: {  	[hbm:s23], [sflag:s13] =	dma.local [spmem:s6], $0x1000  }
0xb5: {  	_ =	swait.ge [sflag:s10], $0x1000  }
0xb6: {  	s24 =	sadd.s32 $0x3000, s31;
	s25 =	sadd.s32 $0x7000, s31;
	[sflag:s10] =	ssyncset.done $0x0  }
0xb7: {  	s26 =	sadd.s32 $0xB000, s31;
	s1 =	sadd.s32 $0xF000, s31;
	[sflag:s10] =	ssyncadd.s32 $0xFFFFF000  }
0xb8: {  	[hbm:s24], [sflag:s13] =	dma.local [spmem:s12], $0x1000  }
0xb9: {  	[hbm:s25], [sflag:s13] =	dma.local [spmem:s12], $0x1000  }
0xba: {  	[hbm:s26], [sflag:s13] =	dma.local [spmem:s12], $0x1000  }
0xbb: {  	[hbm:s1], [sflag:s13] =	dma.local [spmem:s12], $0x1000  }
0xbc: {  	_ =	swait.ge [sflag:s13], $0x1000  }
0xbd: {  	[sflag:s13] =	ssyncset.done $0x0  }
0xbe: {  	[sflag:s13] =	ssyncadd.s32 $0xFFFFF000;
	_ =	sdelay $0x2  }
0xbf: {  	_ =	swait.ge [sflag:s13], $0x1000  }
0xc0: {  	[sflag:s13] =	ssyncset.done $0x0  }
0xc1: {  	[sflag:s13] =	ssyncadd.s32 $0xFFFFF000;
	_ =	sdelay $0x2  }
0xc2: {  	_ =	swait.ge [sflag:s13], $0x1000  }
0xc3: {  	[sflag:s13] =	ssyncset.done $0x0  }
0xc4: {  	[sflag:s13] =	ssyncadd.s32 $0xFFFFF000;
	_ =	sdelay $0x2  }
0xc5: {  	_ =	swait.ge [sflag:s13], $0x1000  }
0xc6: {  	[sflag:s13] =	ssyncset.done $0x0  }
0xc7: {  	[sflag:s13] =	ssyncadd.s32 $0xFFFFF000;
	_ =	sdelay $0x2  }
0xc8: {  	_ =	swait.ge [sflag:s13], $0x1000  }
0xc9: {  	[sflag:s13] =	ssyncset.done $0x0  }
0xca: {  	[sflag:s13] =	ssyncadd.s32 $0xFFFFF000;
	_ =	sdelay $0x2  }
0xcb: {  	_ =	swait.ge [sflag:s13], $0x1000  }
0xcc: {  	[sflag:s13] =	ssyncset.done $0x0  }
0xcd: {  	[sflag:s13] =	ssyncadd.s32 $0xFFFFF000;
	_ =	sdelay $0x2  }
0xce: {  	_ =	swait.ge [sflag:s13], $0x1000  }
0xcf: {  	[sflag:s13] =	ssyncset.done $0x0  }
0xd0: {  	[sflag:s13] =	ssyncadd.s32 $0xFFFFF000;
	_ =	sdelay $0x2  }
0xd1: {  	_ =	swait.ge [sflag:s13], $0x1000  }
0xd2: {  	[sflag:s13] =	ssyncset.done $0x0  }
0xd3: {  	[sflag:s13] =	ssyncadd.s32 $0xFFFFF000;
	_ =	sdelay $0x2  }
0xd4: {  	_ =	swait.ge [sflag:s13], $0x1000  }
0xd5: {  	[sflag:s13] =	ssyncset.done $0x0  }
0xd6: {  	[sflag:s13] =	ssyncadd.s32 $0xFFFFF000;
	_ =	sdelay $0x2  }
0xd7: {  	_ =	swait.ge [sflag:s13], $0x1000  }
0xd8: {  	[sflag:s13] =	ssyncset.done $0x0  }
0xd9: {  	[sflag:s13] =	ssyncadd.s32 $0xFFFFF000;
	_ =	sdelay $0x2  }
0xda: {  	_ =	swait.ge [sflag:s13], $0x1000  }
0xdb: {  	[sflag:s13] =	ssyncset.done $0x0  }
0xdc: {  	[sflag:s13] =	ssyncadd.s32 $0xFFFFF000;
	_ =	sdelay $0x2  }
0xdd: {  	_ =	swait.ge [sflag:s13], $0x1000  }
0xde: {  	[sflag:s13] =	ssyncset.done $0x0  }
0xdf: {  	[sflag:s13] =	ssyncadd.s32 $0xFFFFF000;
	_ =	sdelay $0x2  }
0xe0: {  	_ =	swait.ge [sflag:s13], $0x1000  }
0xe1: {  	[sflag:s13] =	ssyncset.done $0x0  }
0xe2: {  	[sflag:s13] =	ssyncadd.s32 $0xFFFFF000;
	_ =	sdelay $0x2  }
0xe3: {  	_ =	swait.ge [sflag:s13], $0x1000  }
0xe4: {  	[sflag:s13] =	ssyncset.done $0x0  }
0xe5: {  	[sflag:s13] =	ssyncadd.s32 $0xFFFFF000;
	_ =	sdelay $0x2  }
0xe6: {  	_ =	swait.ge [sflag:s13], $0x1000  }
0xe7: {  	[sflag:s13] =	ssyncset.done $0x0  }
0xe8: {  	[sflag:s13] =	ssyncadd.s32 $0xFFFFF000;
	_ =	sdelay $0x2  }
0xe9: {  	_ =	swait.ge [sflag:s13], $0x1000  }
0xea: {  	[sflag:s13] =	ssyncset.done $0x0  }
0xeb: {  	[sflag:s13] =	ssyncadd.s32 $0xFFFFF000  }
0xec: {  	_ =	strace $0x90000046  }
0xed: {  	_ =	sfence  }
0xee: {  	s28 =	sld [smem:$0x0];
	_ =	sdelay $0x1  }
0xef: {  	s29 =	srdreg.scid  }
0xf0: {  	s30 =	sshll.u32 s29, $0xD;
	s31 =	sshrl.u32 s29, $0x2  }
0xf1: {  	s2 =	sand.u32 $0x4000, s30;
	s1 =	sand.u32 $0x1, s29;
	s0 =	sadd.s32 s31, s28  }
0xf2: {  	s1 =	sor.u32 s2, s1;
	s0 =	sshll.u32 s0, $0x11  }
0xf3: {  	s0 =	sor.u32 s0, s1  }
0xf4: {  	s0 =	sadd.s32 $0x8F2B, s0;
	(pc) =	sbr.abs _section_cstart, $3  }
0xf5: {  	[sflag:s0] =	ssyncadd.remote.s32 $0x1  }
0xf6: {  	_ =	strace $0x9FFFFFFF  }
0xf7: {  	(tm) =	ssettm $0x7FFFFFFF  }

</sc_bundles>
